<compile_context>
chip_gen: v7x
topology: tpu7x:2x2x1
jax: 0.10.2.dev20260603
libtpu: 0.0.44.dev20260713+nightly
codegen_flags: <defaults>
</compile_context>

<pallas_src>
import functools

import jax
import jax.numpy as jnp
from jax import lax
from jax.experimental import pallas as pl
from jax.experimental.pallas import tpu as pltpu
from jax.experimental.pallas import tpu_sc as plsc

N_FEATURES = 32768
D_MODEL = 2048
BATCH = 16384
K = 32
GRAD_CLIP_THRESHOLD = 1.0

NW = 32
ROWS_W = BATCH // NW
_UNROLL = 8


def _make_hist_kernel():
    mesh = plsc.VectorSubcoreMesh(core_axis_name="c", subcore_axis_name="s")

    @functools.partial(
        pl.kernel,
        out_type=jax.ShapeDtypeStruct((NW * N_FEATURES,), jnp.float32),
        mesh=mesh,
        scratch_types=[
            pltpu.VMEM((K, ROWS_W), jnp.int32),
            pltpu.VMEM((N_FEATURES,), jnp.float32),
        ],
        compiler_params=pltpu.CompilerParams(
            needs_layout_passes=False
        ),
    )
    def hist_kernel(idx_hbm, out_hbm, idx_v, hist_v):
        wid = lax.axis_index("s") * 2 + lax.axis_index("c")
        zero = jnp.zeros((16,), jnp.float32)

        def zbody(i, c):
            for j in range(_UNROLL):
                hist_v[pl.ds((i * _UNROLL + j) * 16, 16)] = zero
            return c

        lax.fori_loop(0, N_FEATURES // (16 * _UNROLL), zbody, 0)

        pltpu.sync_copy(idx_hbm.at[:, pl.ds(wid * ROWS_W, ROWS_W)], idx_v)

        ones = jnp.ones((16,), jnp.float32)

        def body(r, c):
            def inner(k, c2):
                for j in range(_UNROLL):
                    vec = idx_v[r, pl.ds((k * _UNROLL + j) * 16, 16)]
                    plsc.addupdate_scatter(hist_v, [vec], ones)
                return c2

            return lax.fori_loop(0, ROWS_W // (16 * _UNROLL), inner, c)

        lax.fori_loop(0, K, body, 0)

        pltpu.sync_copy(hist_v, out_hbm.at[pl.ds(wid * N_FEATURES, N_FEATURES)])

    return hist_kernel


_X_BLOCK = 1024
_U_BLOCK = 512
_GRID = BATCH // _X_BLOCK


def _reduce_body(
    w_ref, nw_ref, avg_ref, gcp_ref, x_ref, u_ref, norm_ref, clip_ref, acc_ref
):
    i = pl.program_id(0)

    @pl.when(i == 0)
    def _init():
        acc_ref[0] = 0.0
        acc_ref[1] = 0.0

    xb = x_ref[...]
    rs = jnp.sum(xb * xb, axis=1, keepdims=True)
    nsum = jnp.sum(jnp.sqrt(rs))
    ub = u_ref[...]
    csum = jnp.sum((jnp.abs(ub) > GRAD_CLIP_THRESHOLD).astype(jnp.float32))
    acc_ref[0] += nsum
    acc_ref[1] += csum

    @pl.when(i == _GRID - 1)
    def _fini():
        w = w_ref[0]
        nw = nw_ref[0]
        norm_ref[0] = avg_ref[0] * w + (acc_ref[0] / BATCH) * nw
        clip_ref[0] = gcp_ref[0] * w + (
            acc_ref[1] / (8192.0 * D_MODEL)
        ) * nw


def _dense_reduce(w, nw, avg_norm, gcp, x, updates_flat):
    return pl.pallas_call(
        _reduce_body,
        grid=(_GRID,),
        in_specs=[
            pl.BlockSpec(memory_space=pltpu.SMEM),
            pl.BlockSpec(memory_space=pltpu.SMEM),
            pl.BlockSpec(memory_space=pltpu.SMEM),
            pl.BlockSpec(memory_space=pltpu.SMEM),
            pl.BlockSpec((_X_BLOCK, D_MODEL), lambda i: (i, 0)),
            pl.BlockSpec((_U_BLOCK, D_MODEL), lambda i: (i, 0)),
        ],
        out_specs=[
            pl.BlockSpec(memory_space=pltpu.SMEM),
            pl.BlockSpec(memory_space=pltpu.SMEM),
        ],
        out_shape=[
            jax.ShapeDtypeStruct((1,), jnp.float32),
            jax.ShapeDtypeStruct((1,), jnp.float32),
        ],
        scratch_shapes=[pltpu.SMEM((2,), jnp.float32)],
        compiler_params=pltpu.CompilerParams(
            dimension_semantics=("arbitrary",)
        ),
    )(w, nw, avg_norm, gcp, x, updates_flat)


_FD_ROWS = N_FEATURES // 128


def _blend_body(w_ref, nw_ref, fd_ref, h_ref, out_ref):
    h = h_ref[...].reshape(NW, _FD_ROWS, 128)
    tot = jnp.sum(h, axis=0)
    out_ref[...] = fd_ref[...] * w_ref[0] + tot * nw_ref[0]


def _blend(w, nw, fd2, hists2):
    return pl.pallas_call(
        _blend_body,
        in_specs=[
            pl.BlockSpec(memory_space=pltpu.SMEM),
            pl.BlockSpec(memory_space=pltpu.SMEM),
            pl.BlockSpec(memory_space=pltpu.VMEM),
            pl.BlockSpec(memory_space=pltpu.VMEM),
        ],
        out_shape=jax.ShapeDtypeStruct((_FD_ROWS, 128), jnp.float32),
    )(w, nw, fd2, hists2)


def kernel(n_steps, avg_norm, feature_density, grad_clip_percent, updates_flat, x, k_indices):
    ns = jnp.asarray(n_steps, jnp.float32)
    w = (ns / (ns + 1.0)).reshape(1)
    nw = (1.0 / (ns + 1.0)).reshape(1)

    hist_kernel = _make_hist_kernel()
    hists1d = hist_kernel(k_indices.T)

    updated_avg_norm, updated_clip = _dense_reduce(
        w,
        nw,
        jnp.asarray(avg_norm, jnp.float32).reshape(1),
        jnp.asarray(grad_clip_percent, jnp.float32).reshape(1),
        x,
        updates_flat,
    )

    fd2 = feature_density.reshape(_FD_ROWS, 128)
    hists2 = hists1d.reshape(NW * _FD_ROWS, 128)
    updated_fd = _blend(w, nw, fd2, hists2).reshape(N_FEATURES)

    return (
        jnp.asarray(n_steps + 1),
        updated_avg_norm[0],
        updated_fd,
        updated_clip[0],
    )

# --- scband reference (transcript-rebuilt; emitter-appended) ---
"""Pipeline reference for scband-saeinfo-16630113370676 (READ-ONLY COPY).

The authoritative reference and input builder live on the scoring server;
editing this copy changes nothing except your own understanding.
"""

import jax, jax.numpy as jnp
import numpy as np

N_FEATURES = 32768
D_MODEL = 2048
BATCH = 16384
K = 32
GRAD_CLIP_THRESHOLD = 1.0


def setup_inputs(seed: int = 0) -> dict:
    key = jax.random.key(seed)
    k1, k2, k3, k4 = jax.random.split(key, 4)
    n_steps = 100
    avg_norm = jnp.asarray(45.25, dtype=jnp.float32)  # ~sqrt(d_model)
    feature_density = jax.random.uniform(k1, (N_FEATURES,), dtype=jnp.float32)
    grad_clip_percent = jnp.asarray(0.0, dtype=jnp.float32)
    updates_flat = jax.random.normal(k2, (8192, D_MODEL), dtype=jnp.float32)
    x = jax.random.normal(k3, (BATCH, D_MODEL), dtype=jnp.float32)
    k_indices = jax.random.randint(k4, (BATCH, K), 0, N_FEATURES)
    return {
        "n_steps": n_steps,
        "avg_norm": avg_norm,
        "feature_density": feature_density,
        "grad_clip_percent": grad_clip_percent,
        "updates_flat": updates_flat,
        "x": x,
        "k_indices": k_indices,
    }


def reference(n_steps, avg_norm, feature_density, grad_clip_percent, updates_flat, x, k_indices):
    # SAEInfo.step translated to pure jax. `updates_flat` stands for the single
    # flattened leaf of the SAE update pytree.
    weighting_factor = n_steps / (n_steps + 1)
    new_weighting_factor = 1.0 / (n_steps + 1)

    # running average of activation norms
    new_avg_norm = jnp.mean(jnp.linalg.norm(x, axis=-1))
    updated_avg_norm = avg_norm * weighting_factor + new_avg_norm * new_weighting_factor

    # feature-density histogram: scatter-add of top-k indices into n_features bins
    new_feature_density = jnp.zeros(feature_density.shape, dtype=feature_density.dtype).at[
        k_indices.flatten()
    ].add(1.0)
    updated_feature_density = (
        feature_density * weighting_factor + new_feature_density * new_weighting_factor
    )

    # fraction of update entries exceeding the grad clip threshold
    clip_mask = (jnp.abs(updates_flat) > GRAD_CLIP_THRESHOLD).astype(jnp.float32)
    new_grad_clip_percent = jnp.sum(clip_mask) / updates_flat.size
    updated_grad_clip_percent = (
        grad_clip_percent * weighting_factor + new_grad_clip_percent * new_weighting_factor
    )

    return (
        jnp.asarray(n_steps + 1),
        updated_avg_norm,
        updated_feature_density,
        updated_grad_clip_percent,
    )

if __name__ == "__main__":
    import jax
    _d = setup_inputs()
    print(jax.jit(kernel)(*tuple(_d.values())))

</pallas_src>

<mosaic_0001>
#map = affine_map<(d0, d1) -> (0, 0)>
#map1 = affine_map<(d0, d1) -> (0)>
module attributes {stable_mosaic.version = 14 : i64} {
  func.func @hist_kernel(%arg0: i32, %arg1: i32, %arg2: memref<32x16384xi32, #tpu.memory_space<hbm>>, %arg3: memref<1048576xf32, #tpu.memory_space<hbm>>, %arg4: memref<32x512xi32, #tpu.memory_space<vmem>>, %arg5: memref<32768xf32, #tpu.memory_space<vmem>>) attributes {dimension_semantics = [#tpu.dimension_semantics<core_parallel>, #tpu.dimension_semantics<subcore_parallel>], iteration_bounds = array<i64: 2, 16>, scalar_prefetch = 0 : i64, scratch_operands = 2 : i64, tpu.core_type = #tpu.core_type<sc_vector_subcore>, window_params = [{transform_indices = #map}, {transform_indices = #map1}]} {
    %mul3A = arith.constant 2 : i32
    %mul3A_0 = arith.muli %arg1, %mul3A : i32
    %add3A = arith.addi %mul3A_0, %arg0 : i32
    %broadcast_in_dim3A = arith.constant 0.000000e+00 : f32
    %broadcast_in_dim3A_1 = vector.broadcast %broadcast_in_dim3A : f32 to vector<16xf32>
    %scan3A = arith.constant 0 : i32
    %scan3A_2 = arith.constant 0 : i32
    %scan3A_3 = arith.constant 256 : i32
    %scan3A_4 = arith.addi %scan3A_2, %scan3A_3 : i32
    %scan3A_5 = arith.constant 1 : i32
    scf.for %scan3A_19 = %scan3A_2 to %scan3A_4 step %scan3A_5  : i32 {
      %mul3A_20 = arith.constant 8 : i32
      %mul3A_21 = arith.muli %scan3A_19, %mul3A_20 : i32
      %add3A_22 = arith.constant 0 : i32
      %add3A_23 = arith.addi %mul3A_21, %add3A_22 : i32
      %mul3A_24 = arith.constant 16 : i32
      %mul3A_25 = arith.muli %add3A_23, %mul3A_24 : i32
      %swap3A = arith.index_cast %mul3A_25 : i32 to index
      %swap3A_26 = tpu.vector_load %arg5[%swap3A] {strides = array<i32>} : memref<32768xf32, #tpu.memory_space<vmem>>, vector<16xf32>,
      tpu.vector_store %arg5[%swap3A], %broadcast_in_dim3A_1 {strides = array<i32>} : memref<32768xf32, #tpu.memory_space<vmem>>, vector<16xf32>,
      %mul3A_27 = arith.constant 8 : i32
      %mul3A_28 = arith.muli %scan3A_19, %mul3A_27 : i32
      %add3A_29 = arith.constant 1 : i32
      %add3A_30 = arith.addi %mul3A_28, %add3A_29 : i32
      %mul3A_31 = arith.constant 16 : i32
      %mul3A_32 = arith.muli %add3A_30, %mul3A_31 : i32
      %swap3A_33 = arith.index_cast %mul3A_32 : i32 to index
      %swap3A_34 = tpu.vector_load %arg5[%swap3A_33] {strides = array<i32>} : memref<32768xf32, #tpu.memory_space<vmem>>, vector<16xf32>,
      tpu.vector_store %arg5[%swap3A_33], %broadcast_in_dim3A_1 {strides = array<i32>} : memref<32768xf32, #tpu.memory_space<vmem>>, vector<16xf32>,
      %mul3A_35 = arith.constant 8 : i32
      %mul3A_36 = arith.muli %scan3A_19, %mul3A_35 : i32
      %add3A_37 = arith.constant 2 : i32
      %add3A_38 = arith.addi %mul3A_36, %add3A_37 : i32
      %mul3A_39 = arith.constant 16 : i32
      %mul3A_40 = arith.muli %add3A_38, %mul3A_39 : i32
      %swap3A_41 = arith.index_cast %mul3A_40 : i32 to index
      %swap3A_42 = tpu.vector_load %arg5[%swap3A_41] {strides = array<i32>} : memref<32768xf32, #tpu.memory_space<vmem>>, vector<16xf32>,
      tpu.vector_store %arg5[%swap3A_41], %broadcast_in_dim3A_1 {strides = array<i32>} : memref<32768xf32, #tpu.memory_space<vmem>>, vector<16xf32>,
      %mul3A_43 = arith.constant 8 : i32
      %mul3A_44 = arith.muli %scan3A_19, %mul3A_43 : i32
      %add3A_45 = arith.constant 3 : i32
      %add3A_46 = arith.addi %mul3A_44, %add3A_45 : i32
      %mul3A_47 = arith.constant 16 : i32
      %mul3A_48 = arith.muli %add3A_46, %mul3A_47 : i32
      %swap3A_49 = arith.index_cast %mul3A_48 : i32 to index
      %swap3A_50 = tpu.vector_load %arg5[%swap3A_49] {strides = array<i32>} : memref<32768xf32, #tpu.memory_space<vmem>>, vector<16xf32>,
      tpu.vector_store %arg5[%swap3A_49], %broadcast_in_dim3A_1 {strides = array<i32>} : memref<32768xf32, #tpu.memory_space<vmem>>, vector<16xf32>,
      %mul3A_51 = arith.constant 8 : i32
      %mul3A_52 = arith.muli %scan3A_19, %mul3A_51 : i32
      %add3A_53 = arith.constant 4 : i32
      %add3A_54 = arith.addi %mul3A_52, %add3A_53 : i32
      %mul3A_55 = arith.constant 16 : i32
      %mul3A_56 = arith.muli %add3A_54, %mul3A_55 : i32
      %swap3A_57 = arith.index_cast %mul3A_56 : i32 to index
      %swap3A_58 = tpu.vector_load %arg5[%swap3A_57] {strides = array<i32>} : memref<32768xf32, #tpu.memory_space<vmem>>, vector<16xf32>,
      tpu.vector_store %arg5[%swap3A_57], %broadcast_in_dim3A_1 {strides = array<i32>} : memref<32768xf32, #tpu.memory_space<vmem>>, vector<16xf32>,
      %mul3A_59 = arith.constant 8 : i32
      %mul3A_60 = arith.muli %scan3A_19, %mul3A_59 : i32
      %add3A_61 = arith.constant 5 : i32
      %add3A_62 = arith.addi %mul3A_60, %add3A_61 : i32
      %mul3A_63 = arith.constant 16 : i32
      %mul3A_64 = arith.muli %add3A_62, %mul3A_63 : i32
      %swap3A_65 = arith.index_cast %mul3A_64 : i32 to index
      %swap3A_66 = tpu.vector_load %arg5[%swap3A_65] {strides = array<i32>} : memref<32768xf32, #tpu.memory_space<vmem>>, vector<16xf32>,
      tpu.vector_store %arg5[%swap3A_65], %broadcast_in_dim3A_1 {strides = array<i32>} : memref<32768xf32, #tpu.memory_space<vmem>>, vector<16xf32>,
      %mul3A_67 = arith.constant 8 : i32
      %mul3A_68 = arith.muli %scan3A_19, %mul3A_67 : i32
      %add3A_69 = arith.constant 6 : i32
      %add3A_70 = arith.addi %mul3A_68, %add3A_69 : i32
      %mul3A_71 = arith.constant 16 : i32
      %mul3A_72 = arith.muli %add3A_70, %mul3A_71 : i32
      %swap3A_73 = arith.index_cast %mul3A_72 : i32 to index
      %swap3A_74 = tpu.vector_load %arg5[%swap3A_73] {strides = array<i32>} : memref<32768xf32, #tpu.memory_space<vmem>>, vector<16xf32>,
      tpu.vector_store %arg5[%swap3A_73], %broadcast_in_dim3A_1 {strides = array<i32>} : memref<32768xf32, #tpu.memory_space<vmem>>, vector<16xf32>,
      %mul3A_75 = arith.constant 8 : i32
      %mul3A_76 = arith.muli %scan3A_19, %mul3A_75 : i32
      %add3A_77 = arith.constant 7 : i32
      %add3A_78 = arith.addi %mul3A_76, %add3A_77 : i32
      %mul3A_79 = arith.constant 16 : i32
      %mul3A_80 = arith.muli %add3A_78, %mul3A_79 : i32
      %swap3A_81 = arith.index_cast %mul3A_80 : i32 to index
      %swap3A_82 = tpu.vector_load %arg5[%swap3A_81] {strides = array<i32>} : memref<32768xf32, #tpu.memory_space<vmem>>, vector<16xf32>,
      tpu.vector_store %arg5[%swap3A_81], %broadcast_in_dim3A_1 {strides = array<i32>} : memref<32768xf32, #tpu.memory_space<vmem>>, vector<16xf32>,
    }
    %scan3A_6 = arith.constant 256 : i32
    %mul3A_7 = arith.constant 512 : i32
    %mul3A_8 = arith.muli %add3A, %mul3A_7 : i32
    "tpu.region"() ({
      %run_scoped3A = tpu.sem_alloc : memref<!tpu.dma_semaphore, #tpu.memory_space<semaphore_mem>>
      %dma_start3A = arith.constant 0 : i32
      %dma_start3A_19 = tpu.memref_slice %arg2[%dma_start3A, %mul3A_8] : memref<32x16384xi32, #tpu.memory_space<hbm>> -> memref<32x512xi32, #tpu.memory_space<hbm>>
      %dma_start3A_20 = arith.constant 0 : i32
      %dma_start3A_21 = tpu.memref_slice %arg2[%dma_start3A_20, %mul3A_8] : memref<32x16384xi32, #tpu.memory_space<hbm>> -> memref<32x512xi32, #tpu.memory_space<hbm>>
      tpu.enqueue_dma source(%dma_start3A_21 : memref<32x512xi32, #tpu.memory_space<hbm>>) target(%arg4 : memref<32x512xi32, #tpu.memory_space<vmem>>) target_semaphore(%run_scoped3A : memref<!tpu.dma_semaphore, #tpu.memory_space<semaphore_mem>>)
      %dma_wait3A = arith.constant 0 : i32
      %dma_wait3A_22 = tpu.memref_slice %arg2[%dma_wait3A, %mul3A_8] : memref<32x16384xi32, #tpu.memory_space<hbm>> -> memref<32x512xi32, #tpu.memory_space<hbm>>
      %dma_wait3A_23 = arith.constant 0 : i32
      %dma_wait3A_24 = tpu.memref_slice %arg2[%dma_wait3A_23, %mul3A_8] : memref<32x16384xi32, #tpu.memory_space<hbm>> -> memref<32x512xi32, #tpu.memory_space<hbm>>
      tpu.wait_dma2 semaphore(%run_scoped3A : memref<!tpu.dma_semaphore, #tpu.memory_space<semaphore_mem>>) src(%dma_wait3A_24 : memref<32x512xi32, #tpu.memory_space<hbm>>) dst(%arg4 : memref<32x512xi32, #tpu.memory_space<vmem>>)
      tpu.yield
    }) : () -> ()
    %broadcast_in_dim3A_9 = arith.constant 1.000000e+00 : f32
    %broadcast_in_dim3A_10 = vector.broadcast %broadcast_in_dim3A_9 : f32 to vector<16xf32>
    %scan3A_11 = arith.constant 0 : i32
    %scan3A_12 = arith.constant 0 : i32
    %scan3A_13 = arith.constant 32 : i32
    %scan3A_14 = arith.addi %scan3A_12, %scan3A_13 : i32
    %scan3A_15 = arith.constant 1 : i32
    scf.for %scan3A_19 = %scan3A_12 to %scan3A_14 step %scan3A_15  : i32 {
      %scan3A_20 = arith.constant 0 : i32
      %scan3A_21 = arith.constant 4 : i32
      %scan3A_22 = arith.addi %scan3A_20, %scan3A_21 : i32
      %scan3A_23 = arith.constant 1 : i32
      scf.for %scan3A_25 = %scan3A_20 to %scan3A_22 step %scan3A_23  : i32 {
        %mul3A_26 = arith.constant 8 : i32
        %mul3A_27 = arith.muli %scan3A_25, %mul3A_26 : i32
        %add3A_28 = arith.constant 0 : i32
        %add3A_29 = arith.addi %mul3A_27, %add3A_28 : i32
        %mul3A_30 = arith.constant 16 : i32
        %mul3A_31 = arith.muli %add3A_29, %mul3A_30 : i32
        %get3A = arith.index_cast %scan3A_19 : i32 to index
        %get3A_32 = arith.index_cast %mul3A_31 : i32 to index
        %get3A_33 = tpu.vector_load %arg4[%get3A, %get3A_32] {strides = array<i32>} : memref<32x512xi32, #tpu.memory_space<vmem>>, vector<16xi32>,
        tpu.vector_store_idx %arg5[%get3A_33], %broadcast_in_dim3A_10 {add = true} : memref<32768xf32, #tpu.memory_space<vmem>>[vector<16xi32>], vector<16xf32>,
        %mul3A_34 = arith.constant 8 : i32
        %mul3A_35 = arith.muli %scan3A_25, %mul3A_34 : i32
        %add3A_36 = arith.constant 1 : i32
        %add3A_37 = arith.addi %mul3A_35, %add3A_36 : i32
        %mul3A_38 = arith.constant 16 : i32
        %mul3A_39 = arith.muli %add3A_37, %mul3A_38 : i32
        %get3A_40 = arith.index_cast %scan3A_19 : i32 to index
        %get3A_41 = arith.index_cast %mul3A_39 : i32 to index
        %get3A_42 = tpu.vector_load %arg4[%get3A_40, %get3A_41] {strides = array<i32>} : memref<32x512xi32, #tpu.memory_space<vmem>>, vector<16xi32>,
        tpu.vector_store_idx %arg5[%get3A_42], %broadcast_in_dim3A_10 {add = true} : memref<32768xf32, #tpu.memory_space<vmem>>[vector<16xi32>], vector<16xf32>,
        %mul3A_43 = arith.constant 8 : i32
        %mul3A_44 = arith.muli %scan3A_25, %mul3A_43 : i32
        %add3A_45 = arith.constant 2 : i32
        %add3A_46 = arith.addi %mul3A_44, %add3A_45 : i32
        %mul3A_47 = arith.constant 16 : i32
        %mul3A_48 = arith.muli %add3A_46, %mul3A_47 : i32
        %get3A_49 = arith.index_cast %scan3A_19 : i32 to index
        %get3A_50 = arith.index_cast %mul3A_48 : i32 to index
        %get3A_51 = tpu.vector_load %arg4[%get3A_49, %get3A_50] {strides = array<i32>} : memref<32x512xi32, #tpu.memory_space<vmem>>, vector<16xi32>,
        tpu.vector_store_idx %arg5[%get3A_51], %broadcast_in_dim3A_10 {add = true} : memref<32768xf32, #tpu.memory_space<vmem>>[vector<16xi32>], vector<16xf32>,
        %mul3A_52 = arith.constant 8 : i32
        %mul3A_53 = arith.muli %scan3A_25, %mul3A_52 : i32
        %add3A_54 = arith.constant 3 : i32
        %add3A_55 = arith.addi %mul3A_53, %add3A_54 : i32
        %mul3A_56 = arith.constant 16 : i32
        %mul3A_57 = arith.muli %add3A_55, %mul3A_56 : i32
        %get3A_58 = arith.index_cast %scan3A_19 : i32 to index
        %get3A_59 = arith.index_cast %mul3A_57 : i32 to index
        %get3A_60 = tpu.vector_load %arg4[%get3A_58, %get3A_59] {strides = array<i32>} : memref<32x512xi32, #tpu.memory_space<vmem>>, vector<16xi32>,
        tpu.vector_store_idx %arg5[%get3A_60], %broadcast_in_dim3A_10 {add = true} : memref<32768xf32, #tpu.memory_space<vmem>>[vector<16xi32>], vector<16xf32>,
        %mul3A_61 = arith.constant 8 : i32
        %mul3A_62 = arith.muli %scan3A_25, %mul3A_61 : i32
        %add3A_63 = arith.constant 4 : i32
        %add3A_64 = arith.addi %mul3A_62, %add3A_63 : i32
        %mul3A_65 = arith.constant 16 : i32
        %mul3A_66 = arith.muli %add3A_64, %mul3A_65 : i32
        %get3A_67 = arith.index_cast %scan3A_19 : i32 to index
        %get3A_68 = arith.index_cast %mul3A_66 : i32 to index
        %get3A_69 = tpu.vector_load %arg4[%get3A_67, %get3A_68] {strides = array<i32>} : memref<32x512xi32, #tpu.memory_space<vmem>>, vector<16xi32>,
        tpu.vector_store_idx %arg5[%get3A_69], %broadcast_in_dim3A_10 {add = true} : memref<32768xf32, #tpu.memory_space<vmem>>[vector<16xi32>], vector<16xf32>,
        %mul3A_70 = arith.constant 8 : i32
        %mul3A_71 = arith.muli %scan3A_25, %mul3A_70 : i32
        %add3A_72 = arith.constant 5 : i32
        %add3A_73 = arith.addi %mul3A_71, %add3A_72 : i32
        %mul3A_74 = arith.constant 16 : i32
        %mul3A_75 = arith.muli %add3A_73, %mul3A_74 : i32
        %get3A_76 = arith.index_cast %scan3A_19 : i32 to index
        %get3A_77 = arith.index_cast %mul3A_75 : i32 to index
        %get3A_78 = tpu.vector_load %arg4[%get3A_76, %get3A_77] {strides = array<i32>} : memref<32x512xi32, #tpu.memory_space<vmem>>, vector<16xi32>,
        tpu.vector_store_idx %arg5[%get3A_78], %broadcast_in_dim3A_10 {add = true} : memref<32768xf32, #tpu.memory_space<vmem>>[vector<16xi32>], vector<16xf32>,
        %mul3A_79 = arith.constant 8 : i32
        %mul3A_80 = arith.muli %scan3A_25, %mul3A_79 : i32
        %add3A_81 = arith.constant 6 : i32
        %add3A_82 = arith.addi %mul3A_80, %add3A_81 : i32
        %mul3A_83 = arith.constant 16 : i32
        %mul3A_84 = arith.muli %add3A_82, %mul3A_83 : i32
        %get3A_85 = arith.index_cast %scan3A_19 : i32 to index
        %get3A_86 = arith.index_cast %mul3A_84 : i32 to index
        %get3A_87 = tpu.vector_load %arg4[%get3A_85, %get3A_86] {strides = array<i32>} : memref<32x512xi32, #tpu.memory_space<vmem>>, vector<16xi32>,
        tpu.vector_store_idx %arg5[%get3A_87], %broadcast_in_dim3A_10 {add = true} : memref<32768xf32, #tpu.memory_space<vmem>>[vector<16xi32>], vector<16xf32>,
        %mul3A_88 = arith.constant 8 : i32
        %mul3A_89 = arith.muli %scan3A_25, %mul3A_88 : i32
        %add3A_90 = arith.constant 7 : i32
        %add3A_91 = arith.addi %mul3A_89, %add3A_90 : i32
        %mul3A_92 = arith.constant 16 : i32
        %mul3A_93 = arith.muli %add3A_91, %mul3A_92 : i32
        %get3A_94 = arith.index_cast %scan3A_19 : i32 to index
        %get3A_95 = arith.index_cast %mul3A_93 : i32 to index
        %get3A_96 = tpu.vector_load %arg4[%get3A_94, %get3A_95] {strides = array<i32>} : memref<32x512xi32, #tpu.memory_space<vmem>>, vector<16xi32>,
        tpu.vector_store_idx %arg5[%get3A_96], %broadcast_in_dim3A_10 {add = true} : memref<32768xf32, #tpu.memory_space<vmem>>[vector<16xi32>], vector<16xf32>,
      }
      %scan3A_24 = arith.constant 4 : i32
    }
    %scan3A_16 = arith.constant 32 : i32
    %mul3A_17 = arith.constant 32768 : i32
    %mul3A_18 = arith.muli %add3A, %mul3A_17 : i32
    "tpu.region"() ({
      %run_scoped3A = tpu.sem_alloc : memref<!tpu.dma_semaphore, #tpu.memory_space<semaphore_mem>>
      %dma_start3A = tpu.memref_slice %arg3[%mul3A_18] : memref<1048576xf32, #tpu.memory_space<hbm>> -> memref<32768xf32, #tpu.memory_space<hbm>>
      %dma_start3A_19 = tpu.memref_slice %arg3[%mul3A_18] : memref<1048576xf32, #tpu.memory_space<hbm>> -> memref<32768xf32, #tpu.memory_space<hbm>>
      tpu.enqueue_dma source(%arg5 : memref<32768xf32, #tpu.memory_space<vmem>>) target(%dma_start3A_19 : memref<32768xf32, #tpu.memory_space<hbm>>) target_semaphore(%run_scoped3A : memref<!tpu.dma_semaphore, #tpu.memory_space<semaphore_mem>>)
      %dma_wait3A = tpu.memref_slice %arg3[%mul3A_18] : memref<1048576xf32, #tpu.memory_space<hbm>> -> memref<32768xf32, #tpu.memory_space<hbm>>
      %dma_wait3A_20 = tpu.memref_slice %arg3[%mul3A_18] : memref<1048576xf32, #tpu.memory_space<hbm>> -> memref<32768xf32, #tpu.memory_space<hbm>>
      tpu.wait_dma2 semaphore(%run_scoped3A : memref<!tpu.dma_semaphore, #tpu.memory_space<semaphore_mem>>) src(%arg5 : memref<32768xf32, #tpu.memory_space<vmem>>) dst(%dma_wait3A_20 : memref<32768xf32, #tpu.memory_space<hbm>>)
      tpu.yield
    }) : () -> ()
    return
  }
}

module attributes {stable_mosaic.version = 14 : i64} {
  func.func @_blend_body(%arg0: memref<1xf32, #tpu.memory_space<smem>>, %arg1: memref<1xf32, #tpu.memory_space<smem>>, %arg2: memref<256x128xf32, #tpu.memory_space<vmem>>, %arg3: memref<8192x128xf32, #tpu.memory_space<vmem>>, %arg4: memref<256x128xf32, #tpu.memory_space<vmem>>) attributes {dimension_semantics = [], scalar_prefetch = 0 : i64, scratch_operands = 0 : i64, tpu.core_type = #tpu.core_type<tc>} {
    %get3A = arith.constant 0 : index
    %get3A_0 = arith.constant 0 : index
    %get3A_1 = vector.load %arg3[%get3A, %get3A_0] : memref<8192x128xf32, #tpu.memory_space<vmem>>, vector<8192x128xf32>
    %reshape3A = vector.shape_cast %get3A_1 : vector<8192x128xf32> to vector<32x256x128xf32>
    %reduce_sum3A = arith.constant dense<0.000000e+00> : vector<256x128xf32>
    %reduce_sum3A_2 = vector.multi_reduction <add>, %reshape3A, %reduce_sum3A [0] : vector<32x256x128xf32> to vector<256x128xf32>
    %get3A_3 = arith.constant 0 : index
    %get3A_4 = arith.constant 0 : index
    %get3A_5 = vector.load %arg2[%get3A_3, %get3A_4] : memref<256x128xf32, #tpu.memory_space<vmem>>, vector<256x128xf32>
    %get3A_6 = arith.constant 0 : index
    %get3A_7 = memref.load %arg0[%get3A_6] : memref<1xf32, #tpu.memory_space<smem>>
    %mul3A = vector.broadcast %get3A_7 : f32 to vector<256x128xf32>
    %mul3A_8 = arith.mulf %get3A_5, %mul3A : vector<256x128xf32>
    %get3A_9 = arith.constant 0 : index
    %get3A_10 = memref.load %arg1[%get3A_9] : memref<1xf32, #tpu.memory_space<smem>>
    %mul3A_11 = vector.broadcast %get3A_10 : f32 to vector<256x128xf32>
    %mul3A_12 = arith.mulf %reduce_sum3A_2, %mul3A_11 : vector<256x128xf32>
    %add3A = arith.addf %mul3A_8, %mul3A_12 : vector<256x128xf32>
    %swap3A = arith.constant 0 : index
    %swap3A_13 = arith.constant 0 : index
    %swap3A_14 = vector.load %arg4[%swap3A, %swap3A_13] : memref<256x128xf32, #tpu.memory_space<vmem>>, vector<256x128xf32>
    tpu.vector_store %arg4[%swap3A, %swap3A_13], %add3A {strides = array<i32>} : memref<256x128xf32, #tpu.memory_space<vmem>>, vector<256x128xf32>,
    return
  }
}

module attributes {stable_mosaic.version = 14 : i64} {
  func.func @_reduce_body(%arg0: i32, %arg1: memref<1xf32, #tpu.memory_space<smem>>, %arg2: memref<1xf32, #tpu.memory_space<smem>>, %arg3: memref<1xf32, #tpu.memory_space<smem>>, %arg4: memref<1xf32, #tpu.memory_space<smem>>, %arg5: memref<1024x2048xf32, #tpu.memory_space<vmem>>, %arg6: memref<512x2048xf32, #tpu.memory_space<vmem>>, %arg7: memref<1xf32, #tpu.memory_space<smem>>, %arg8: memref<1xf32, #tpu.memory_space<smem>>, %arg9: memref<2xf32, #tpu.memory_space<smem>>) attributes {dimension_semantics = [#tpu.dimension_semantics<arbitrary>], iteration_bounds = array<i64: 16>, scalar_prefetch = 0 : i64, scratch_operands = 1 : i64, tpu.core_type = #tpu.core_type<tc>, window_params = [{transform_indices = @transform_0, window_bounds = array<i64: 1>}, {transform_indices = @transform_1, window_bounds = array<i64: 1>}, {transform_indices = @transform_2, window_bounds = array<i64: 1>}, {transform_indices = @transform_3, window_bounds = array<i64: 1>}, {transform_indices = @transform_4, window_bounds = array<i64: 1024, 2048>}, {transform_indices = @transform_5, window_bounds = array<i64: 512, 2048>}, {transform_indices = @transform_6, window_bounds = array<i64: 1>}, {transform_indices = @transform_7, window_bounds = array<i64: 1>}]} {
    %eq3A = arith.constant 0 : i32
    %eq3A_0 = arith.cmpi eq, %arg0, %eq3A : i32
    %convert_element_type3A = arith.extui %eq3A_0 : i1 to i32
    %cond3A = arith.constant 0 : i32
    %cond3A_1 = arith.cmpi ne, %convert_element_type3A, %cond3A : i32
    scf.if %cond3A_1 {
      %swap3A_35 = arith.constant 0.000000e+00 : f32
      %swap3A_36 = arith.constant 0 : index
      %swap3A_37 = memref.load %arg9[%swap3A_36] : memref<2xf32, #tpu.memory_space<smem>>
      memref.store %swap3A_35, %arg9[%swap3A_36] : memref<2xf32, #tpu.memory_space<smem>>
      %swap3A_38 = arith.constant 0.000000e+00 : f32
      %swap3A_39 = arith.constant 1 : index
      %swap3A_40 = memref.load %arg9[%swap3A_39] : memref<2xf32, #tpu.memory_space<smem>>
      memref.store %swap3A_38, %arg9[%swap3A_39] : memref<2xf32, #tpu.memory_space<smem>>
    } else {
    }
    %get3A = arith.constant 0 : index
    %get3A_2 = arith.constant 0 : index
    %get3A_3 = vector.load %arg5[%get3A, %get3A_2] : memref<1024x2048xf32, #tpu.memory_space<vmem>>, vector<1024x2048xf32>
    %mul3A = arith.mulf %get3A_3, %get3A_3 : vector<1024x2048xf32>
    %reduce_sum3A = arith.constant dense<0.000000e+00> : vector<1024xf32>
    %reduce_sum3A_4 = vector.multi_reduction <add>, %mul3A, %reduce_sum3A [1] : vector<1024x2048xf32> to vector<1024xf32>
    %broadcast_in_dim3A = vector.shape_cast %reduce_sum3A_4 : vector<1024xf32> to vector<1024x1xf32>
    %sqrt3A = math.sqrt %broadcast_in_dim3A : vector<1024x1xf32>
    %reduce_sum3A_5 = vector.shape_cast %sqrt3A : vector<1024x1xf32> to vector<1x1024x1xf32>
    %reduce_sum3A_6 = arith.constant dense<0.000000e+00> : vector<1xf32>
    %reduce_sum3A_7 = vector.multi_reduction <add>, %reduce_sum3A_5, %reduce_sum3A_6 [1, 2] : vector<1x1024x1xf32> to vector<1xf32>
    %reduce_sum3A_8 = vector.shape_cast %reduce_sum3A_7 : vector<1xf32> to vector<1x1x1xf32>
    %reduce_sum3A_9 = vector.extract %reduce_sum3A_8[0, 0, 0] : f32 from vector<1x1x1xf32>
    %get3A_10 = arith.constant 0 : index
    %get3A_11 = arith.constant 0 : index
    %get3A_12 = vector.load %arg6[%get3A_10, %get3A_11] : memref<512x2048xf32, #tpu.memory_space<vmem>>, vector<512x2048xf32>
    %abs3A = math.absf %get3A_12 : vector<512x2048xf32>
    %gt3A = arith.constant 1.000000e+00 : f32
    %gt3A_13 = vector.broadcast %gt3A : f32 to vector<512x2048xf32>
    %gt3A_14 = arith.cmpf ogt, %abs3A, %gt3A_13 : vector<512x2048xf32>
    %convert_element_type3A_15 = arith.extui %gt3A_14 : vector<512x2048xi1> to vector<512x2048xi32>
    %convert_element_type3A_16 = arith.sitofp %convert_element_type3A_15 : vector<512x2048xi32> to vector<512x2048xf32>
    %reduce_sum3A_17 = vector.shape_cast %convert_element_type3A_16 : vector<512x2048xf32> to vector<1x512x2048xf32>
    %reduce_sum3A_18 = arith.constant dense<0.000000e+00> : vector<1xf32>
    %reduce_sum3A_19 = vector.multi_reduction <add>, %reduce_sum3A_17, %reduce_sum3A_18 [1, 2] : vector<1x512x2048xf32> to vector<1xf32>
    %reduce_sum3A_20 = vector.shape_cast %reduce_sum3A_19 : vector<1xf32> to vector<1x1x1xf32>
    %reduce_sum3A_21 = vector.extract %reduce_sum3A_20[0, 0, 0] : f32 from vector<1x1x1xf32>
    %get3A_22 = arith.constant 0 : index
    %get3A_23 = memref.load %arg9[%get3A_22] : memref<2xf32, #tpu.memory_space<smem>>
    %add3A = arith.addf %get3A_23, %reduce_sum3A_9 : f32
    %swap3A = arith.constant 0 : index
    %swap3A_24 = memref.load %arg9[%swap3A] : memref<2xf32, #tpu.memory_space<smem>>
    memref.store %add3A, %arg9[%swap3A] : memref<2xf32, #tpu.memory_space<smem>>
    %get3A_25 = arith.constant 1 : index
    %get3A_26 = memref.load %arg9[%get3A_25] : memref<2xf32, #tpu.memory_space<smem>>
    %add3A_27 = arith.addf %get3A_26, %reduce_sum3A_21 : f32
    %swap3A_28 = arith.constant 1 : index
    %swap3A_29 = memref.load %arg9[%swap3A_28] : memref<2xf32, #tpu.memory_space<smem>>
    memref.store %add3A_27, %arg9[%swap3A_28] : memref<2xf32, #tpu.memory_space<smem>>
    %eq3A_30 = arith.constant 15 : i32
    %eq3A_31 = arith.cmpi eq, %arg0, %eq3A_30 : i32
    %convert_element_type3A_32 = arith.extui %eq3A_31 : i1 to i32
    %cond3A_33 = arith.constant 0 : i32
    %cond3A_34 = arith.cmpi ne, %convert_element_type3A_32, %cond3A_33 : i32
    scf.if %cond3A_34 {
      %get3A_35 = arith.constant 0 : index
      %get3A_36 = memref.load %arg1[%get3A_35] : memref<1xf32, #tpu.memory_space<smem>>
      %get3A_37 = arith.constant 0 : index
      %get3A_38 = memref.load %arg2[%get3A_37] : memref<1xf32, #tpu.memory_space<smem>>
      %get3A_39 = arith.constant 0 : index
      %get3A_40 = memref.load %arg3[%get3A_39] : memref<1xf32, #tpu.memory_space<smem>>
      %mul3A_41 = arith.mulf %get3A_40, %get3A_36 : f32
      %get3A_42 = arith.constant 0 : index
      %get3A_43 = memref.load %arg9[%get3A_42] : memref<2xf32, #tpu.memory_space<smem>>
      %div3A = arith.constant 1.638400e+04 : f32
      %div3A_44 = arith.divf %get3A_43, %div3A : f32
      %mul3A_45 = arith.mulf %div3A_44, %get3A_38 : f32
      %add3A_46 = arith.addf %mul3A_41, %mul3A_45 : f32
      %swap3A_47 = arith.constant 0 : index
      %swap3A_48 = memref.load %arg7[%swap3A_47] : memref<1xf32, #tpu.memory_space<smem>>
      memref.store %add3A_46, %arg7[%swap3A_47] : memref<1xf32, #tpu.memory_space<smem>>
      %get3A_49 = arith.constant 0 : index
      %get3A_50 = memref.load %arg4[%get3A_49] : memref<1xf32, #tpu.memory_space<smem>>
      %mul3A_51 = arith.mulf %get3A_50, %get3A_36 : f32
      %get3A_52 = arith.constant 1 : index
      %get3A_53 = memref.load %arg9[%get3A_52] : memref<2xf32, #tpu.memory_space<smem>>
      %div3A_54 = arith.constant 0x4B800000 : f32
      %div3A_55 = arith.divf %get3A_53, %div3A_54 : f32
      %mul3A_56 = arith.mulf %div3A_55, %get3A_38 : f32
      %add3A_57 = arith.addf %mul3A_51, %mul3A_56 : f32
      %swap3A_58 = arith.constant 0 : index
      %swap3A_59 = memref.load %arg8[%swap3A_58] : memref<1xf32, #tpu.memory_space<smem>>
      memref.store %add3A_57, %arg8[%swap3A_58] : memref<1xf32, #tpu.memory_space<smem>>
    } else {
    }
    return
  }
  func.func @transform_0(%arg0: i32) -> i32 {
    %c0_i32 = arith.constant 0 : i32
    %c0_i32_0 = arith.constant 0 : i32
    return %c0_i32 : i32
  }
  func.func @transform_1(%arg0: i32) -> i32 {
    %c0_i32 = arith.constant 0 : i32
    %c0_i32_0 = arith.constant 0 : i32
    return %c0_i32 : i32
  }
  func.func @transform_2(%arg0: i32) -> i32 {
    %c0_i32 = arith.constant 0 : i32
    %c0_i32_0 = arith.constant 0 : i32
    return %c0_i32 : i32
  }
  func.func @transform_3(%arg0: i32) -> i32 {
    %c0_i32 = arith.constant 0 : i32
    %c0_i32_0 = arith.constant 0 : i32
    return %c0_i32 : i32
  }
  func.func @transform_4(%arg0: i32) -> (i32, i32) {
    %c0_i32 = arith.constant 0 : i32
    %c0_i32_0 = arith.constant 0 : i32
    return %arg0, %c0_i32 : i32, i32
  }
  func.func @transform_5(%arg0: i32) -> (i32, i32) {
    %c0_i32 = arith.constant 0 : i32
    %c0_i32_0 = arith.constant 0 : i32
    return %arg0, %c0_i32 : i32, i32
  }
  func.func @transform_6(%arg0: i32) -> i32 {
    %c0_i32 = arith.constant 0 : i32
    %c0_i32_0 = arith.constant 0 : i32
    return %c0_i32 : i32
  }
  func.func @transform_7(%arg0: i32) -> i32 {
    %c0_i32 = arith.constant 0 : i32
    %c0_i32_0 = arith.constant 0 : i32
    return %c0_i32 : i32
  }
}

</mosaic_0001>

<sc_bundles>
// kernel: kernel.5.cloned.1.call-start
scs
__scs_entry_jumppad:
0x0: {  	(pc) =	sbr.rel $0x88, $3  }
0x1: {  	(tag) =	ssettag $0x0;
	lr =	simm.s32 $0x1  }
0x2: {  	[smem:$0x3F9A] =	sst lr;
	_ =	strace $0xD0000000  }
0x3: {  	_ = 	snop  }
0x4: {  	_ = 	snop  }
0x5: {  	_ = 	snop  }
0x6: {  	_ = 	snop  }
0x7: {  	_ = 	snop  }
__scs_overlays_trampoline_lowered:
0x8: {  	[smem:$0x3FA9] =	sst s0  }
0x9: {  	[smem:$0x3FAA] =	sst s1  }
0xa: {  	[smem:$0x3FAB] =	sst s2  }
0xb: {  	[smem:$0x3FAC] =	sst s3  }
0xc: {  	[smem:$0x3FAD] =	sst s4  }
0xd: {  	[smem:$0x3FAE] =	sst s5  }
0xe: {  	[smem:$0x3FAF] =	sst s6  }
0xf: {  	[smem:$0x3FB0] =	sst s7  }
0x10: {  	[smem:$0x3FB1] =	sst s8  }
0x11: {  	[smem:$0x3FB2] =	sst s9;
	s0 =	simm.s32 @!p0 $0x0  }
0x12: {  	s1 =	sld [smem:$0x3F98];
	s0 =	simm.s32 @p0 $0x1  }
0x13: {  	[smem:$0x3FB3] =	sst s0;
	s0 =	simm.s32 @!p1 $0x0  }
0x14: {  	s2 =	sld [smem:$0x3F97];
	s0 =	simm.s32 @p1 $0x1  }
0x15: {  	[smem:$0x3FB4] =	sst s0;
	s0 =	simm.s32 @!p2 $0x0  }
0x16: {  	s3 =	sld [smem:$0x3FDB];
	s0 =	simm.s32 @p2 $0x1  }
0x17: {  	s4 =	simm.s32 $0x1BF5;
	[smem:$0x3FB6] =	sst s0  }
0x18: {  	s0 =	sld [smem:$0x3F99];
	_ =	swait.ge [sflag:s4], $0x0  }
0x19: {  	s7 =	sld [smem:$0x3F9A]  }
0x1a: {  	s8 =	sadd.s32 $0xFFFFE003, lr  }
0x1b: {  	s9 =	sadd.s32 $0xFFFFFEF7, lr;
	s5 =	simm.s32 $0xFFFFFFFF;
	p2 =	slt.u32 s8, $0xFFFFF086  }
0x1c: {  	p1 =	slt.u32 s9, $0xF7A;
	s5 =	simm.s32 @!p2 $0x0  }
0x1d: {  	s5 =	simm.s32 @p1 $0x1;
	p0 =	seq.s32 s7, s2  }
0x1e: {  	s7 =	smul.u32 @!p0 $0xF7A, s2;
	p2 =	seq.s32 @!p0 s5, $0x0  }
0x1f: {  	s9 =	smul.u32 $0xF7A, s1;
	s8 =	simm.s32 @!p0 $0x1BF5;
	p2 =	por !p2, p0  }
0x20: {  	[sflag:s8] =	ssyncset.s32 @!p0 $0xFFFFF086;
	s6 =	sadd.s32 @!p0 s3, s7;
	s7 =	simm.s32 @!p0 $0x108  }
0x21: {  	s3 =	sadd.s32 s3, s9;
	s6 =	sadd.s32 @!p0 $0x88, s6;
	s7 =	simm.s32 @p2 $0x1082  }
0x22: {  	[simem:s7], [sflag:s8] =	dma.local @!p0 [hbm:s6], $0xF7A  }
0x23: {  	s9 =	sor.u32 $0xD0000000, s2;
	s6 =	simm.s32 $0x108;
	_ =	swait.ge @!p0 [sflag:s8], $0x0  }
0x24: {  	s3 =	sadd.s32 $0x88, s3;
	s6 =	simm.s32 @!p1 $0x1082;
	[sflag:s4] =	ssyncset.s32 $0xFFFFF086  }
0x25: {  	[simem:s6], [sflag:s4] =	dma.local [hbm:s3], $0xF7A  }
0x26: {  	[smem:$0x3F9A] =	sst s1;
	(tag) =	ssettag s2;
	_ =	strace s9  }
0x27: {  	s1 =	sld [smem:$0x3FAA]  }
0x28: {  	s2 =	sld [smem:$0x3FAB]  }
0x29: {  	s4 =	sld [smem:$0x3FAD]  }
0x2a: {  	p0 =	seq.s32 s5, $0x0;
	s5 =	sld [smem:$0x3FAE]  }
0x2b: {  	s6 =	sld [smem:$0x3FAF]  }
0x2c: {  	s7 =	sld [smem:$0x3FB0]  }
0x2d: {  	s3 =	simm.s32 $0x108;
	s8 =	sld [smem:$0x3FB1]  }
0x2e: {  	s3 =	simm.s32 @!p0 $0x1082;
	s9 =	sld [smem:$0x3FB2]  }
0x2f: {  	lr =	sadd.s32 s0, s3;
	s0 =	sld [smem:$0x3FA9]  }
0x30: {  	s3 =	sld [smem:$0x3FAC]  }
0x31: {  	[smem:$0x3FB5] =	sst s10  }
0x32: {  	s10 =	sld [smem:$0x3FB3];
	_ =	sdelay $0x3  }
0x33: {  	p0 =	seq.s32 s10, $0x1;
	s10 =	sld [smem:$0x3FB5];
	_ =	sdelay $0x3  }
0x34: {  	[smem:$0x3FB5] =	sst s10  }
0x35: {  	s10 =	sld [smem:$0x3FB4];
	_ =	sdelay $0x3  }
0x36: {  	p1 =	seq.s32 s10, $0x1;
	s10 =	sld [smem:$0x3FB5];
	_ =	sdelay $0x3  }
0x37: {  	[smem:$0x3FB5] =	sst s10  }
0x38: {  	s10 =	sld [smem:$0x3FB6]  }
0x39: {  	_ = 	snop;
	(pc) =	sbr.ind lr, $3  }
0x3a: {  	_ = 	snop  }
0x3b: {  	_ = 	snop  }
0x3c: {  	p2 =	seq.s32 s10, $0x1;
	s10 =	sld [smem:$0x3FB5]  }
0x3d: {  	_ =	shalt  }
0x3e: {  	_ =	shalt  }
0x3f: {  	_ =	shalt  }
0x40: {  	_ =	shalt  }
0x41: {  	_ =	shalt  }
0x42: {  	_ =	shalt  }
0x43: {  	_ =	shalt  }
0x44: {  	_ =	shalt  }
0x45: {  	_ =	shalt  }
0x46: {  	_ =	shalt  }
0x47: {  	_ =	shalt  }
0x48: {  	_ =	shalt  }
0x49: {  	_ =	shalt  }
0x4a: {  	_ =	shalt  }
0x4b: {  	_ =	shalt  }
0x4c: {  	_ =	shalt  }
0x4d: {  	_ =	shalt  }
0x4e: {  	_ =	shalt  }
0x4f: {  	_ =	shalt  }
0x50: {  	_ =	shalt  }
0x51: {  	_ =	shalt  }
0x52: {  	_ =	shalt  }
0x53: {  	_ =	shalt  }
0x54: {  	_ =	shalt  }
0x55: {  	_ =	shalt  }
0x56: {  	_ =	shalt  }
0x57: {  	_ =	shalt  }
0x58: {  	_ =	shalt  }
0x59: {  	_ =	shalt  }
0x5a: {  	_ =	shalt  }
0x5b: {  	_ =	shalt  }
0x5c: {  	_ =	shalt  }
0x5d: {  	_ =	shalt  }
0x5e: {  	_ =	shalt  }
0x5f: {  	_ =	shalt  }
0x60: {  	_ =	shalt  }
0x61: {  	_ =	shalt  }
0x62: {  	_ =	shalt  }
0x63: {  	_ =	shalt  }
0x64: {  	_ =	shalt  }
0x65: {  	_ =	shalt  }
0x66: {  	_ =	shalt  }
0x67: {  	_ =	shalt  }
0x68: {  	_ =	shalt  }
0x69: {  	_ =	shalt  }
0x6a: {  	_ =	shalt  }
0x6b: {  	_ =	shalt  }
0x6c: {  	_ =	shalt  }
0x6d: {  	_ =	shalt  }
0x6e: {  	_ =	shalt  }
0x6f: {  	_ =	shalt  }
0x70: {  	_ =	shalt  }
0x71: {  	_ =	shalt  }
0x72: {  	_ =	shalt  }
0x73: {  	_ =	shalt  }
0x74: {  	_ =	shalt  }
0x75: {  	_ =	shalt  }
0x76: {  	_ =	shalt  }
0x77: {  	_ =	shalt  }
0x78: {  	_ =	shalt  }
0x79: {  	_ =	shalt  }
0x7a: {  	_ =	shalt  }
0x7b: {  	_ =	shalt  }
0x7c: {  	_ =	shalt  }
0x7d: {  	_ =	shalt  }
0x7e: {  	_ =	shalt  }
0x7f: {  	_ =	shalt  }
0x80: {  	_ =	shalt  }
0x81: {  	_ =	shalt  }
0x82: {  	_ =	shalt  }
0x83: {  	_ =	shalt  }
0x84: {  	_ =	shalt  }
0x85: {  	_ =	shalt  }
0x86: {  	_ =	shalt  }
0x87: {  	_ =	shalt  }
.Lfunc_end0:
.L_simem_size_0:
called_computation_lowered:
.L_overlay_start_0:
0x88: {  	s2 =	sld [smem:$0x3FD9]  }
0x89: {  	s3 =	sld [smem:$0x3FFE];
	_ =	sdelay $0x1  }
0x8a: {  	s1 =	srdreg.scid  }
0x8b: {  	s0 =	sand.u32 $0x1, s1  }
0x8c: {  	s17 =	sshll.u32 s0, $0xA;
	s2 =	sadd.s32 s3, s2  }
0x8d: {  	s2 =	sadd.s32 s2, s17  }
0x8e: {  	[smem:$0x3FC1] =	sst s2  }
0x8f: {  	_ = 	snop  }
0x90: {  	s2 =	sld [smem:$0x3FC3];
	(tm) =	ssettm $0x1  }
0x91: {  	s18 =	sld [smem:$0x3FFB];
	_ =	sdelay $0x3  }
0x92: {  	_ =	strace s18  }
0x93: {  	s3 =	sld [smem:$0x3FFC];
	_ =	sdelay $0x3  }
0x94: {  	_ =	strace s3  }
0x95: {  	s3 =	sld [smem:$0x3FFD];
	_ =	sdelay $0x3  }
0x96: {  	_ =	strace s3  }
0x97: {  	_ =	strace $0x8FFFFFFF  }
0x98: {  	s19 =	sld [smem:$0x3FDB];
	_ =	sdelay $0x1  }
0x99: {  	s4 =	simm.s32 $_scs_section_size  }
0x9a: {  	s5 =	simm.s32 $_size__tile_overlayer_lowered;
	s6 =	simm.s32 $_tile_overlayer_lowered  }
0x9b: {  	s22 =	simm.s32 $0x1BFF;
	s21 =	sshll.u32 s6, $0x1;
	s3 =	sadd.s32 s4, s19  }
0x9c: {  	s7 =	simm.s32 $0x0;
	s20 =	sshll.u32 s5, $0x1;
	s5 =	sadd.s32 s21, s3  }
0x9d: {  	[timem:s7], [sflag:s22] =	dma.local [hbm:s5], s20  }
0x9e: {  	_ =	swait.ge [sflag:s22], s20  }
0x9f: {  	s4 =	ssub.s32 $0x0, s20;
	[sflag:s22] =	ssyncset.done $0x0  }
0xa0: {  	[sflag:s22] =	ssyncadd.s32 s4;
	_ =	sdelay $0x1  }
0xa1: {  	s23 =	simm.s32 $0x1B8B  }
0xa2: {  	_ =	swait.ge [sflag:s23], $0x1  }
0xa3: {  	[sflag:s23] =	ssyncset.done $0x0  }
0xa4: {  	s25 =	simm.s32 $0x1B8E;
	s24 =	sld [smem:$0x3FFE];
	[sflag:s23] =	ssyncadd.s32 $0xFFFFFFFF  }
0xa5: {  	s26 =	simm.s32 $execute0_lowered;
	[smem:$0x3FD2] =	sst s25  }
0xa6: {  	s5 =	sshll.u32 s26, $0x1;
	_ =	strace $0x80000046;
	[dreg:$0x1] =	wrdreg $0xFFFFFFFF  }
0xa7: {  	s28 =	simm.s32 $_size_execute0_lowered;
	s3 =	sadd.s32 s3, s5;
	[dreg:$0x0] =	wrdreg $0x0  }
0xa8: {  	s5 =	sshll.u32 s28, $0x1;
	[dreg:$0x2] =	wrdreg s3  }
0xa9: {  	[dreg:$0x3] =	wrdreg s5  }
0xaa: {  	[dreg:$0x4] =	wrdreg $0xC0  }
0xab: {  	_ =	task [dreg:s7], $0x5FFFF  }
0xac: {  	[dreg:$0x1] =	wrdreg $0xFFFFFFFF  }
0xad: {  	[dreg:$0x0] =	wrdreg $0x60  }
0xae: {  	[dreg:$0x2] =	wrdreg s2  }
0xaf: {  	[dreg:$0x3] =	wrdreg s24  }
0xb0: {  	[dreg:$0x4] =	wrdreg $0x9  }
0xb1: {  	_ =	task.clear_ibuf [dreg:s7], $0x5FFFF;
	_ =	strace $0x90000046  }
0xb2: {  	s29 =	simm.s32 $0x9;
	_ =	strace $0x80000048  }
0xb3: {  	_ =	swait.ge [sflag:s29], $0x1  }
0xb4: {  	[sflag:s29] =	ssyncadd.s32 $0xFFFFFFFF  }
0xb5: {  	_ =	strace $0x90000048  }
0xb6: {  	_ =	sfence  }
0xb7: {  	s30 =	sld [smem:$0x0];
	_ =	sdelay $0x2  }
0xb8: {  	s31 =	sshll.u32 s1, $0xD;
	s1 =	sshrl.u32 s1, $0x2  }
0xb9: {  	s3 =	sand.u32 $0x4000, s31;
	s1 =	sadd.s32 s1, s30  }
0xba: {  	s0 =	sor.u32 s3, s0;
	s1 =	sshll.u32 s1, $0x11  }
0xbb: {  	s0 =	sor.u32 s1, s0  }
0xbc: {  	s0 =	sadd.s32 $0x8F2B, s0  }
0xbd: {  	[sflag:s0] =	ssyncadd.remote.s32 $0x1  }
0xbe: {  	_ =	sfence.sel $0xFFFF  }
0xbf: {  	[dreg:$0x0] =	wrdreg $0xFFFFFFFF;
	(pc) =	sbr.abs _section_cstart, $3  }
0xc0: {  	[dreg:$0x1] =	wrdreg $0xFFFFFFFF  }
0xc1: {  	_ =	task.clear_ibuf [dreg:s7], $0x2FFFF;
	_ =	strace $0x9FFFFFFF  }
0xc2: {  	(tm) =	ssettm $0x7FFFFFFF  }
0xc3: {  	_ =	shalt  }
tec
execute0_lowered:
.L_overlay_start_1:
0x0: {  	(tag) =	ssettag $0x1  }
0x1: {  	s3 =	rddreg [dreg:$0x0]  }
0x2: {  	s4 =	rddreg [dreg:$0x1]  }
0x3: {  	s0 =	rddreg [dreg:$0x2];
	s5 =	srdreg.scid  }
0x4: {  	s1 =	stileid.u32;
	s2 =	simm.s32 $0x0;
	s8 =	simm.s32 $0x1  }
0x5: {  	s9 =	simm.s32 $0x4000;
	s5 =	sand.u32 $0x1, s5;
	s6 =	sshll.u32 s1, $0x1  }
0x6: {  	s10 =	simm.s32 $0x0;
	[smem:$0x7FF] =	sst s2;
	s6 =	sor.u32 s5, s6  }
0x7: {  	_ =	strace $0x80000047;
	s5 =	ssub.s32 $0x2, s5;
	s7 =	sshll.u32 s6, $0xC  }
0x8: {  	s31 =	sshrl.u32 s5, $0x1;
	s6 =	sshll.u32 s6, $0x9;
	s4 =	sadd.s32 s7, s4  }
0x9: {  	s5 =	ssub.s32 s5, s31;
	s3 =	sadd.s32 s3, s6;
	s6 =	simm.s32 $0x1000  }
0xa: {  	v0 =	vimm.f32 $0.0e+00;
	v1 =	vimm.f32 $1.000000000e+00;
	s7 =	simm.s32 $0x20000;
	s4 =	sadd.s32 $0xA00, s4;
	s5 =	smax.u32 s5, $0x1  }
.LBB2_1:
0xb: {  	s11 =	simm.s32 $0x0;
	s12 =	simm.s32 $0x200  }
.LBB2_2:
0xc: {  	p0 =	sne.s32 s12, $0x1FE00;
	[tilespmem:s11+$0x4070] =	vst v0  }
0xd: {  	[tilespmem:s11+$0x4000] =	vst v0  }
0xe: {  	[tilespmem:s11+$0x4010] =	vst v0  }
.Ltmp0:
0xf: {  	[tilespmem:s11+$0x4020] =	vst v0;
	(pc) =	sbr.rel @p0 .LBB2_2-.Ltmp0, $4  }
0x10: {  	[tilespmem:s11+$0x4030] =	vst v0  }
0x11: {  	[tilespmem:s11+$0x4040] =	vst v0  }
0x12: {  	[tilespmem:s11+$0x4050] =	vst v0  }
0x13: {  	[tilespmem:s11+$0x4060] =	vst v0;
	s11 =	sshra.s32 s12, $0x2;
	s12 =	sadd.s32 $0x200, s12  }
0x14: {  	[tilespmem:s11+$0x4070] =	vst v0  }
0x15: {  	[tilespmem:s11+$0x4000] =	vst v0  }
0x16: {  	[tilespmem:s11+$0x4010] =	vst v0  }
0x17: {  	[tilespmem:s11+$0x4020] =	vst v0  }
0x18: {  	[tilespmem:s11+$0x4030] =	vst v0  }
0x19: {  	[tilespmem:s11+$0x4040] =	vst v0  }
0x1a: {  	[tilespmem:s11+$0x4050] =	vst v0  }
0x1b: {  	[tilespmem:s11+$0x4060] =	vst v0;
	s11 =	simm.s32 $0x0  }
0x1c: {  	[tilespmem:s11], [sflag:$0x1] =	stream.strided.gather [hbm4b:s3+s6], $0x4000, s7, s6, $0x38;
	[tilespmem:$0xC000] =	vst v63  }
0x1d: {  	_ =	swait.ge [sflag:s8], $0x4000  }
0x1e: {  	[sflag:s8] =	ssyncset.done $0x0  }
0x1f: {  	s12 =	simm.s32 $0x0;
	[sflag:s8] =	ssyncadd.s32 $0xFFFFC000  }
.LBB2_4:
0x20: {  	s13 =	sand.u32 $0x3000, s12;
	s14 =	sand.u32 $0x380, s11  }
0x21: {  	s13 =	sor.u32 s14, s13  }
0x22: {  	v2 =	vld [tilespmem:s13+$0x0];
	_ =	sdelay $0x7  }
0x23: {  	[tilespmem:v2+s9+$0x0] =	vst.idx.add.f32.msk $0xffff, v1  }
0x24: {  	v2 =	vld [tilespmem:s13+$0x10];
	_ =	sdelay $0x7  }
0x25: {  	[tilespmem:v2+s9+$0x0] =	vst.idx.add.f32.msk $0xffff, v1  }
0x26: {  	v2 =	vld [tilespmem:s13+$0x20];
	_ =	sdelay $0x7  }
0x27: {  	[tilespmem:v2+s9+$0x0] =	vst.idx.add.f32.msk $0xffff, v1  }
0x28: {  	v2 =	vld [tilespmem:s13+$0x30];
	_ =	sdelay $0x7  }
0x29: {  	[tilespmem:v2+s9+$0x0] =	vst.idx.add.f32.msk $0xffff, v1  }
0x2a: {  	v2 =	vld [tilespmem:s13+$0x40];
	_ =	sdelay $0x7  }
0x2b: {  	[tilespmem:v2+s9+$0x0] =	vst.idx.add.f32.msk $0xffff, v1  }
0x2c: {  	v2 =	vld [tilespmem:s13+$0x50];
	_ =	sdelay $0x7  }
0x2d: {  	[tilespmem:v2+s9+$0x0] =	vst.idx.add.f32.msk $0xffff, v1  }
0x2e: {  	v2 =	vld [tilespmem:s13+$0x60];
	_ =	sdelay $0x7  }
0x2f: {  	[tilespmem:v2+s9+$0x0] =	vst.idx.add.f32.msk $0xffff, v1  }
0x30: {  	v2 =	vld [tilespmem:s13+$0x70];
	_ =	sdelay $0x7  }
0x31: {  	[tilespmem:v2+s9+$0x0] =	vst.idx.add.f32.msk $0xffff, v1  }
0x32: {  	v2 =	vld [tilespmem:s13+$0x400];
	_ =	sdelay $0x7  }
0x33: {  	[tilespmem:v2+s9+$0x0] =	vst.idx.add.f32.msk $0xffff, v1  }
0x34: {  	v2 =	vld [tilespmem:s13+$0x410];
	_ =	sdelay $0x7  }
0x35: {  	[tilespmem:v2+s9+$0x0] =	vst.idx.add.f32.msk $0xffff, v1  }
0x36: {  	v2 =	vld [tilespmem:s13+$0x420];
	_ =	sdelay $0x7  }
0x37: {  	[tilespmem:v2+s9+$0x0] =	vst.idx.add.f32.msk $0xffff, v1  }
0x38: {  	v2 =	vld [tilespmem:s13+$0x430];
	_ =	sdelay $0x7  }
0x39: {  	[tilespmem:v2+s9+$0x0] =	vst.idx.add.f32.msk $0xffff, v1  }
0x3a: {  	v2 =	vld [tilespmem:s13+$0x440];
	_ =	sdelay $0x7  }
0x3b: {  	[tilespmem:v2+s9+$0x0] =	vst.idx.add.f32.msk $0xffff, v1  }
0x3c: {  	v2 =	vld [tilespmem:s13+$0x450];
	_ =	sdelay $0x7  }
0x3d: {  	[tilespmem:v2+s9+$0x0] =	vst.idx.add.f32.msk $0xffff, v1  }
0x3e: {  	v2 =	vld [tilespmem:s13+$0x460];
	_ =	sdelay $0x7  }
0x3f: {  	[tilespmem:v2+s9+$0x0] =	vst.idx.add.f32.msk $0xffff, v1  }
0x40: {  	v2 =	vld [tilespmem:s13+$0x470];
	_ =	sdelay $0x7  }
0x41: {  	[tilespmem:v2+s9+$0x0] =	vst.idx.add.f32.msk $0xffff, v1  }
0x42: {  	v2 =	vld [tilespmem:s13+$0x800];
	_ =	sdelay $0x7  }
0x43: {  	[tilespmem:v2+s9+$0x0] =	vst.idx.add.f32.msk $0xffff, v1  }
0x44: {  	v2 =	vld [tilespmem:s13+$0x810];
	_ =	sdelay $0x7  }
0x45: {  	[tilespmem:v2+s9+$0x0] =	vst.idx.add.f32.msk $0xffff, v1  }
0x46: {  	v2 =	vld [tilespmem:s13+$0x820];
	_ =	sdelay $0x7  }
0x47: {  	[tilespmem:v2+s9+$0x0] =	vst.idx.add.f32.msk $0xffff, v1  }
0x48: {  	v2 =	vld [tilespmem:s13+$0x830];
	_ =	sdelay $0x7  }
0x49: {  	[tilespmem:v2+s9+$0x0] =	vst.idx.add.f32.msk $0xffff, v1  }
0x4a: {  	v2 =	vld [tilespmem:s13+$0x840];
	_ =	sdelay $0x7  }
0x4b: {  	[tilespmem:v2+s9+$0x0] =	vst.idx.add.f32.msk $0xffff, v1  }
0x4c: {  	v2 =	vld [tilespmem:s13+$0x850];
	_ =	sdelay $0x7  }
0x4d: {  	[tilespmem:v2+s9+$0x0] =	vst.idx.add.f32.msk $0xffff, v1  }
0x4e: {  	v2 =	vld [tilespmem:s13+$0x860];
	_ =	sdelay $0x7  }
0x4f: {  	[tilespmem:v2+s9+$0x0] =	vst.idx.add.f32.msk $0xffff, v1  }
0x50: {  	v2 =	vld [tilespmem:s13+$0x870];
	_ =	sdelay $0x7  }
0x51: {  	[tilespmem:v2+s9+$0x0] =	vst.idx.add.f32.msk $0xffff, v1  }
0x52: {  	v2 =	vld [tilespmem:s13+$0xC00];
	_ =	sdelay $0x7  }
0x53: {  	[tilespmem:v2+s9+$0x0] =	vst.idx.add.f32.msk $0xffff, v1  }
0x54: {  	v2 =	vld [tilespmem:s13+$0xC10];
	_ =	sdelay $0x7  }
0x55: {  	[tilespmem:v2+s9+$0x0] =	vst.idx.add.f32.msk $0xffff, v1  }
0x56: {  	v2 =	vld [tilespmem:s13+$0xC20];
	_ =	sdelay $0x7  }
0x57: {  	[tilespmem:v2+s9+$0x0] =	vst.idx.add.f32.msk $0xffff, v1  }
0x58: {  	v2 =	vld [tilespmem:s13+$0xC30];
	_ =	sdelay $0x7  }
0x59: {  	[tilespmem:v2+s9+$0x0] =	vst.idx.add.f32.msk $0xffff, v1  }
0x5a: {  	v2 =	vld [tilespmem:s13+$0xC40];
	_ =	sdelay $0x7  }
0x5b: {  	[tilespmem:v2+s9+$0x0] =	vst.idx.add.f32.msk $0xffff, v1  }
0x5c: {  	v2 =	vld [tilespmem:s13+$0xC50];
	_ =	sdelay $0x7  }
0x5d: {  	[tilespmem:v2+s9+$0x0] =	vst.idx.add.f32.msk $0xffff, v1  }
0x5e: {  	v2 =	vld [tilespmem:s13+$0xC60];
	_ =	sdelay $0x7  }
0x5f: {  	[tilespmem:v2+s9+$0x0] =	vst.idx.add.f32.msk $0xffff, v1  }
0x60: {  	v2 =	vld [tilespmem:s13+$0xC70];
	_ =	sdelay $0x2  }
0x61: {  	p0 =	sne.s32 s12, $0x3E00  }
.Ltmp1:
0x62: {  	_ = 	snop;
	(pc) =	sbr.rel @p0 .LBB2_4-.Ltmp1, $2  }
0x63: {  	_ =	sdelay $0x2  }
0x64: {  	s11 =	sadd.s32 $0x80, s11;
	s12 =	sadd.s32 $0x200, s12;
	[tilespmem:v2+s9+$0x0] =	vst.idx.add.f32.msk $0xffff, v1  }
0x65: {  	s10 =	sadd.s32 $0x1, s10  }
0x66: {  	p0 =	sne.s32 s10, s5  }
.Ltmp2:
0x67: {  	_ = 	snop;
	(pc) =	sbr.rel @p0 .LBB2_1-.Ltmp2, $4  }
0x68: {  	[hbm4b:s4+s2] =	stream.linear.scatter [tilespmem:s9], [sflag:$0x1], $0x8000, $0x38;
	[tilespmem:$0xC000] =	vst v63  }
0x69: {  	_ =	swait.ge [sflag:s8], $0x8000  }
0x6a: {  	[sflag:s8] =	ssyncset.done $0x0  }
0x6b: {  	[sflag:s8] =	ssyncadd.s32 $0xFFFF8000  }
0x6c: {  	_ =	sfence.sel $0x180000  }
0x6d: {  	[bflag:$0x0] =	sbarrier.arrive $0xFFFF  }
0x6e: {  	p0 =	sne.s32 s1, $0x0;
	_ =	strace $0x90000047  }
0x6f: {  	s0 =	sadd.s32 @!p0 $0x100000, s0;
	[bflag:$0x2] =	sbarrier.arrive $0xFFFF  }
0x70: {  	[sflag:s0] =	ssyncadd.tile.s32 @!p0 $0x1;
	_ =	shalt  }
.Lfunc_end2:
_tile_overlayer_lowered:
.L_overlay_start_2:
0x71: {  	(tag) =	ssettag $0x2  }
0x72: {  	s0 =	rddreg [dreg:$0x0];
	s2 =	stileid.u32  }
0x73: {  	s1 =	rddreg [dreg:$0x1];
	p0 =	sne.s32 s2, $0x0  }
0x74: {  	s3 =	rddreg [dreg:$0x2];
	[bflag:$0x3] =	sbarrier.arrive $0xFFFF;
	s2 =	simm.s32 @!p0 $0x1C01  }
0x75: {  	[timem:s3], [sflag:s2] =	dma.local @!p0 [hbm:s0], s1  }
0x76: {  	s0 =	simm.s32 @!p0 $0x1  }
0x77: {  	_ =	swait.ge @!p0 [sflag:s0], s1  }
0x78: {  	s1 =	ssub.s32 @!p0 $0x0, s1;
	[sflag:s0] =	ssyncset.done @!p0 $0x0  }
0x79: {  	[sflag:s0] =	ssyncadd.s32 @!p0 s1  }
0x7a: {  	[bflag:$0x3] =	sbarrier.arrive $0xFFFF  }
0x7b: {  	_ =	shalt  }

</sc_bundles>
